<compile_context>
chip_gen: v7x
topology: tpu7x:2x2x1
jax: 0.10.2.dev20260603
libtpu: 0.0.44.dev20260713+nightly
codegen_flags: <defaults>
</compile_context>

<pallas_src>
import functools

import jax
import jax.numpy as jnp
from jax import lax
from jax.experimental import pallas as pl
from jax.experimental.pallas import tpu as pltpu
from jax.experimental.pallas import tpu_sc as plsc

NUM_EXPERTS = 8
BLK = 4096
NCHUNKS = 1
NCORES = 2
NSUBCORES = 16
NWORKERS = NCORES * NSUBCORES
LANES = 16


def _matmul_body(x_ref, w_ref, lt_ref):
    xb = x_ref[...]
    wb = w_ref[...]
    logits = lax.dot_general(
        xb, wb, (((1,), (1,)), ((), ())), preferred_element_type=jnp.float32
    )
    lt_ref[...] = logits.T


def _logits_t(x2, weight, c, span, d):
    return pl.pallas_call(
        _matmul_body,
        grid=(span // BLK,),
        in_specs=[
            pl.BlockSpec((BLK, d), lambda i: (i + c * (span // BLK), 0)),
            pl.BlockSpec((NUM_EXPERTS, d), lambda i: (0, 0)),
        ],
        out_specs=pl.BlockSpec((NUM_EXPERTS, BLK), lambda i: (0, i)),
        out_shape=jax.ShapeDtypeStruct((NUM_EXPERTS, span), jnp.float32),
    )(x2, weight)


def _route_body(chunk, lt_hbm, wout_hbm, iout_hbm, lt_v, w_v, i_v):
    wid = lax.axis_index("s") * NCORES + lax.axis_index("c")
    base = wid * chunk
    pltpu.sync_copy(lt_hbm.at[:, pl.ds(base, chunk)], lt_v)

    def step(j, carry):
        off = j * LANES
        rows = [lt_v[e, pl.ds(off, LANES)] for e in range(NUM_EXPERTS)]
        m1 = rows[0]
        for e in range(1, NUM_EXPERTS):
            m1 = jnp.maximum(m1, rows[e])
        i1 = jnp.full((LANES,), NUM_EXPERTS - 1, jnp.int32)
        for e in range(NUM_EXPERTS - 1, -1, -1):
            i1 = jnp.where(rows[e] == m1, jnp.full((LANES,), e, jnp.int32), i1)
        neg = jnp.full((LANES,), -jnp.inf, jnp.float32)
        m2 = neg
        for e in range(NUM_EXPERTS):
            ide = jnp.full((LANES,), e, jnp.int32)
            m2 = jnp.maximum(m2, jnp.where(i1 == ide, neg, rows[e]))
        i2 = jnp.full((LANES,), NUM_EXPERTS - 1, jnp.int32)
        for e in range(NUM_EXPERTS - 1, -1, -1):
            ide = jnp.full((LANES,), e, jnp.int32)
            hit = (rows[e] == m2) & (i1 != ide)
            i2 = jnp.where(hit, ide, i2)
        w1 = 1.0 / (1.0 + jnp.exp(m2 - m1))
        w_v[0, pl.ds(off, LANES)] = w1
        w_v[1, pl.ds(off, LANES)] = 1.0 - w1
        i_v[0, pl.ds(off, LANES)] = i1
        i_v[1, pl.ds(off, LANES)] = i2
        return carry

    lax.fori_loop(0, chunk // LANES, step, 0)

    pltpu.sync_copy(w_v, wout_hbm.at[:, pl.ds(base, chunk)])
    pltpu.sync_copy(i_v, iout_hbm.at[:, pl.ds(base, chunk)])


def _route(lt, span):
    chunk = span // NWORKERS
    mesh = plsc.VectorSubcoreMesh(core_axis_name="c", subcore_axis_name="s")
    return pl.kernel(
        functools.partial(_route_body, chunk),
        out_type=[
            jax.ShapeDtypeStruct((2, span), jnp.float32),
            jax.ShapeDtypeStruct((2, span), jnp.int32),
        ],
        mesh=mesh,
        scratch_types=[
            pltpu.VMEM((NUM_EXPERTS, chunk), jnp.float32),
            pltpu.VMEM((2, chunk), jnp.float32),
            pltpu.VMEM((2, chunk), jnp.int32),
        ],
    )(lt)


@jax.jit
def kernel(x, weight):
    b, s, d = x.shape
    n = b * s
    span = n // NCHUNKS
    x2 = x.reshape(n, d)
    lt = _logits_t(x2, weight, 0, span, d)
    wout, iout = _route(lt, span)
    return wout.T, iout.T

# --- scband reference (transcript-rebuilt; emitter-appended) ---
"""Pipeline reference for scband-mo-egate-63754494542474 (READ-ONLY COPY).

The authoritative reference and input builder live on the scoring server;
editing this copy changes nothing except your own understanding.
"""

import jax, jax.numpy as jnp
import numpy as np

NUM_EXPERTS = 8
TOP_K = 2
D_MODEL = 768
BATCH = 4
SEQ_LEN = 8192
NORM_TOPK_PROB = True


def setup_inputs(seed: int = 0) -> dict:
    key = jax.random.key(seed)
    k1, k2 = jax.random.split(key)
    x = jax.random.normal(k1, (BATCH, SEQ_LEN, D_MODEL), dtype=jnp.float32)
    # kaiming_uniform_(a=sqrt(5)) on (num_experts, d_model): bound = sqrt(6 / ((1 + a^2) * fan_in)) = sqrt(1/fan_in)
    bound = float(np.sqrt(1.0 / D_MODEL))
    weight = jax.random.uniform(k2, (NUM_EXPERTS, D_MODEL), dtype=jnp.float32, minval=-bound, maxval=bound)
    return {"x": x, "weight": weight}


def reference(x, weight):
    batch_size, seq_len, d_model = x.shape
    x2 = x.reshape(batch_size * seq_len, d_model)
    logits = x2 @ weight.T  # F.linear(x, weight)
    scores = jax.nn.softmax(logits, axis=-1)
    topk_weight, topk_index = jax.lax.top_k(scores, TOP_K)
    if TOP_K > 1 and NORM_TOPK_PROB:
        topk_prob_sum = jnp.sum(topk_weight, axis=-1, keepdims=True) + 1e-20
        topk_weight = topk_weight / topk_prob_sum
    return (topk_weight, topk_index)

if __name__ == "__main__":
    import jax
    _d = setup_inputs()
    print(jax.jit(kernel)(*tuple(_d.values())))

</pallas_src>

<mosaic_0001>
#map = affine_map<(d0, d1) -> (0, 0)>
module attributes {stable_mosaic.version = 14 : i64} {
  func.func @_route_body(%arg0: i32, %arg1: i32, %arg2: memref<8x32768xf32, #tpu.memory_space<hbm>>, %arg3: memref<2x32768xf32, #tpu.memory_space<hbm>>, %arg4: memref<2x32768xi32, #tpu.memory_space<hbm>>, %arg5: memref<8x1024xf32, #tpu.memory_space<vmem>>, %arg6: memref<2x1024xf32, #tpu.memory_space<vmem>>, %arg7: memref<2x1024xi32, #tpu.memory_space<vmem>>) attributes {dimension_semantics = [#tpu.dimension_semantics<core_parallel>, #tpu.dimension_semantics<subcore_parallel>], iteration_bounds = array<i64: 2, 16>, scalar_prefetch = 0 : i64, scratch_operands = 3 : i64, tpu.core_type = #tpu.core_type<sc_vector_subcore>, window_params = [{transform_indices = #map}, {transform_indices = #map}, {transform_indices = #map}]} {
    %mul3A = arith.constant 2 : i32
    %mul3A_0 = arith.muli %arg1, %mul3A : i32
    %add3A = arith.addi %mul3A_0, %arg0 : i32
    %mul3A_1 = arith.constant 1024 : i32
    %mul3A_2 = arith.muli %add3A, %mul3A_1 : i32
    "tpu.region"() ({
      %run_scoped3A = tpu.sem_alloc : memref<!tpu.dma_semaphore, #tpu.memory_space<semaphore_mem>>
      %dma_start3A = arith.constant 0 : i32
      %dma_start3A_8 = tpu.memref_slice %arg2[%dma_start3A, %mul3A_2] : memref<8x32768xf32, #tpu.memory_space<hbm>> -> memref<8x1024xf32, #tpu.memory_space<hbm>>
      %dma_start3A_9 = arith.constant 0 : i32
      %dma_start3A_10 = tpu.memref_slice %arg2[%dma_start3A_9, %mul3A_2] : memref<8x32768xf32, #tpu.memory_space<hbm>> -> memref<8x1024xf32, #tpu.memory_space<hbm>>
      tpu.enqueue_dma source(%dma_start3A_10 : memref<8x1024xf32, #tpu.memory_space<hbm>>) target(%arg5 : memref<8x1024xf32, #tpu.memory_space<vmem>>) target_semaphore(%run_scoped3A : memref<!tpu.dma_semaphore, #tpu.memory_space<semaphore_mem>>)
      %dma_wait3A = arith.constant 0 : i32
      %dma_wait3A_11 = tpu.memref_slice %arg2[%dma_wait3A, %mul3A_2] : memref<8x32768xf32, #tpu.memory_space<hbm>> -> memref<8x1024xf32, #tpu.memory_space<hbm>>
      %dma_wait3A_12 = arith.constant 0 : i32
      %dma_wait3A_13 = tpu.memref_slice %arg2[%dma_wait3A_12, %mul3A_2] : memref<8x32768xf32, #tpu.memory_space<hbm>> -> memref<8x1024xf32, #tpu.memory_space<hbm>>
      tpu.wait_dma2 semaphore(%run_scoped3A : memref<!tpu.dma_semaphore, #tpu.memory_space<semaphore_mem>>) src(%dma_wait3A_13 : memref<8x1024xf32, #tpu.memory_space<hbm>>) dst(%arg5 : memref<8x1024xf32, #tpu.memory_space<vmem>>)
      tpu.yield
    }) : () -> ()
    %scan3A = arith.constant 0 : i32
    %scan3A_3 = arith.constant 0 : i32
    %scan3A_4 = arith.constant 64 : i32
    %scan3A_5 = arith.addi %scan3A_3, %scan3A_4 : i32
    %scan3A_6 = arith.constant 1 : i32
    scf.for %scan3A_8 = %scan3A_3 to %scan3A_5 step %scan3A_6  : i32 {
      %mul3A_9 = arith.constant 16 : i32
      %mul3A_10 = arith.muli %scan3A_8, %mul3A_9 : i32
      %get3A = arith.constant 0 : i32
      %get3A_11 = arith.index_cast %get3A : i32 to index
      %get3A_12 = arith.index_cast %mul3A_10 : i32 to index
      %get3A_13 = tpu.vector_load %arg5[%get3A_11, %get3A_12] {strides = array<i32>} : memref<8x1024xf32, #tpu.memory_space<vmem>>, vector<1x16xf32>,
      %get3A_14 = vector.shape_cast %get3A_13 : vector<1x16xf32> to vector<16xf32>
      %get3A_15 = arith.constant 1 : i32
      %get3A_16 = arith.index_cast %get3A_15 : i32 to index
      %get3A_17 = arith.index_cast %mul3A_10 : i32 to index
      %get3A_18 = tpu.vector_load %arg5[%get3A_16, %get3A_17] {strides = array<i32>} : memref<8x1024xf32, #tpu.memory_space<vmem>>, vector<1x16xf32>,
      %get3A_19 = vector.shape_cast %get3A_18 : vector<1x16xf32> to vector<16xf32>
      %get3A_20 = arith.constant 2 : i32
      %get3A_21 = arith.index_cast %get3A_20 : i32 to index
      %get3A_22 = arith.index_cast %mul3A_10 : i32 to index
      %get3A_23 = tpu.vector_load %arg5[%get3A_21, %get3A_22] {strides = array<i32>} : memref<8x1024xf32, #tpu.memory_space<vmem>>, vector<1x16xf32>,
      %get3A_24 = vector.shape_cast %get3A_23 : vector<1x16xf32> to vector<16xf32>
      %get3A_25 = arith.constant 3 : i32
      %get3A_26 = arith.index_cast %get3A_25 : i32 to index
      %get3A_27 = arith.index_cast %mul3A_10 : i32 to index
      %get3A_28 = tpu.vector_load %arg5[%get3A_26, %get3A_27] {strides = array<i32>} : memref<8x1024xf32, #tpu.memory_space<vmem>>, vector<1x16xf32>,
      %get3A_29 = vector.shape_cast %get3A_28 : vector<1x16xf32> to vector<16xf32>
      %get3A_30 = arith.constant 4 : i32
      %get3A_31 = arith.index_cast %get3A_30 : i32 to index
      %get3A_32 = arith.index_cast %mul3A_10 : i32 to index
      %get3A_33 = tpu.vector_load %arg5[%get3A_31, %get3A_32] {strides = array<i32>} : memref<8x1024xf32, #tpu.memory_space<vmem>>, vector<1x16xf32>,
      %get3A_34 = vector.shape_cast %get3A_33 : vector<1x16xf32> to vector<16xf32>
      %get3A_35 = arith.constant 5 : i32
      %get3A_36 = arith.index_cast %get3A_35 : i32 to index
      %get3A_37 = arith.index_cast %mul3A_10 : i32 to index
      %get3A_38 = tpu.vector_load %arg5[%get3A_36, %get3A_37] {strides = array<i32>} : memref<8x1024xf32, #tpu.memory_space<vmem>>, vector<1x16xf32>,
      %get3A_39 = vector.shape_cast %get3A_38 : vector<1x16xf32> to vector<16xf32>
      %get3A_40 = arith.constant 6 : i32
      %get3A_41 = arith.index_cast %get3A_40 : i32 to index
      %get3A_42 = arith.index_cast %mul3A_10 : i32 to index
      %get3A_43 = tpu.vector_load %arg5[%get3A_41, %get3A_42] {strides = array<i32>} : memref<8x1024xf32, #tpu.memory_space<vmem>>, vector<1x16xf32>,
      %get3A_44 = vector.shape_cast %get3A_43 : vector<1x16xf32> to vector<16xf32>
      %get3A_45 = arith.constant 7 : i32
      %get3A_46 = arith.index_cast %get3A_45 : i32 to index
      %get3A_47 = arith.index_cast %mul3A_10 : i32 to index
      %get3A_48 = tpu.vector_load %arg5[%get3A_46, %get3A_47] {strides = array<i32>} : memref<8x1024xf32, #tpu.memory_space<vmem>>, vector<1x16xf32>,
      %get3A_49 = vector.shape_cast %get3A_48 : vector<1x16xf32> to vector<16xf32>
      %max3A = arith.maximumf %get3A_14, %get3A_19 : vector<16xf32>
      %max3A_50 = arith.maximumf %max3A, %get3A_24 : vector<16xf32>
      %max3A_51 = arith.maximumf %max3A_50, %get3A_29 : vector<16xf32>
      %max3A_52 = arith.maximumf %max3A_51, %get3A_34 : vector<16xf32>
      %max3A_53 = arith.maximumf %max3A_52, %get3A_39 : vector<16xf32>
      %max3A_54 = arith.maximumf %max3A_53, %get3A_44 : vector<16xf32>
      %max3A_55 = arith.maximumf %max3A_54, %get3A_49 : vector<16xf32>
      %broadcast_in_dim3A = arith.constant 7 : i32
      %broadcast_in_dim3A_56 = vector.broadcast %broadcast_in_dim3A : i32 to vector<16xi32>
      %eq3A = arith.cmpf oeq, %get3A_49, %max3A_55 : vector<16xf32>
      %broadcast_in_dim3A_57 = arith.constant 7 : i32
      %broadcast_in_dim3A_58 = vector.broadcast %broadcast_in_dim3A_57 : i32 to vector<16xi32>
      %select_n3A = arith.select %eq3A, %broadcast_in_dim3A_58, %broadcast_in_dim3A_56 : vector<16xi1>, vector<16xi32>
      %eq3A_59 = arith.cmpf oeq, %get3A_44, %max3A_55 : vector<16xf32>
      %broadcast_in_dim3A_60 = arith.constant 6 : i32
      %broadcast_in_dim3A_61 = vector.broadcast %broadcast_in_dim3A_60 : i32 to vector<16xi32>
      %select_n3A_62 = arith.select %eq3A_59, %broadcast_in_dim3A_61, %select_n3A : vector<16xi1>, vector<16xi32>
      %eq3A_63 = arith.cmpf oeq, %get3A_39, %max3A_55 : vector<16xf32>
      %broadcast_in_dim3A_64 = arith.constant 5 : i32
      %broadcast_in_dim3A_65 = vector.broadcast %broadcast_in_dim3A_64 : i32 to vector<16xi32>
      %select_n3A_66 = arith.select %eq3A_63, %broadcast_in_dim3A_65, %select_n3A_62 : vector<16xi1>, vector<16xi32>
      %eq3A_67 = arith.cmpf oeq, %get3A_34, %max3A_55 : vector<16xf32>
      %broadcast_in_dim3A_68 = arith.constant 4 : i32
      %broadcast_in_dim3A_69 = vector.broadcast %broadcast_in_dim3A_68 : i32 to vector<16xi32>
      %select_n3A_70 = arith.select %eq3A_67, %broadcast_in_dim3A_69, %select_n3A_66 : vector<16xi1>, vector<16xi32>
      %eq3A_71 = arith.cmpf oeq, %get3A_29, %max3A_55 : vector<16xf32>
      %broadcast_in_dim3A_72 = arith.constant 3 : i32
      %broadcast_in_dim3A_73 = vector.broadcast %broadcast_in_dim3A_72 : i32 to vector<16xi32>
      %select_n3A_74 = arith.select %eq3A_71, %broadcast_in_dim3A_73, %select_n3A_70 : vector<16xi1>, vector<16xi32>
      %eq3A_75 = arith.cmpf oeq, %get3A_24, %max3A_55 : vector<16xf32>
      %broadcast_in_dim3A_76 = arith.constant 2 : i32
      %broadcast_in_dim3A_77 = vector.broadcast %broadcast_in_dim3A_76 : i32 to vector<16xi32>
      %select_n3A_78 = arith.select %eq3A_75, %broadcast_in_dim3A_77, %select_n3A_74 : vector<16xi1>, vector<16xi32>
      %eq3A_79 = arith.cmpf oeq, %get3A_19, %max3A_55 : vector<16xf32>
      %broadcast_in_dim3A_80 = arith.constant 1 : i32
      %broadcast_in_dim3A_81 = vector.broadcast %broadcast_in_dim3A_80 : i32 to vector<16xi32>
      %select_n3A_82 = arith.select %eq3A_79, %broadcast_in_dim3A_81, %select_n3A_78 : vector<16xi1>, vector<16xi32>
      %eq3A_83 = arith.cmpf oeq, %get3A_14, %max3A_55 : vector<16xf32>
      %broadcast_in_dim3A_84 = arith.constant 0 : i32
      %broadcast_in_dim3A_85 = vector.broadcast %broadcast_in_dim3A_84 : i32 to vector<16xi32>
      %select_n3A_86 = arith.select %eq3A_83, %broadcast_in_dim3A_85, %select_n3A_82 : vector<16xi1>, vector<16xi32>
      %broadcast_in_dim3A_87 = arith.constant 0xFF800000 : f32
      %broadcast_in_dim3A_88 = vector.broadcast %broadcast_in_dim3A_87 : f32 to vector<16xf32>
      %broadcast_in_dim3A_89 = arith.constant 0 : i32
      %broadcast_in_dim3A_90 = vector.broadcast %broadcast_in_dim3A_89 : i32 to vector<16xi32>
      %eq3A_91 = arith.cmpi eq, %select_n3A_86, %broadcast_in_dim3A_90 : vector<16xi32>
      %select_n3A_92 = arith.select %eq3A_91, %broadcast_in_dim3A_88, %get3A_14 : vector<16xi1>, vector<16xf32>
      %max3A_93 = arith.maximumf %broadcast_in_dim3A_88, %select_n3A_92 : vector<16xf32>
      %broadcast_in_dim3A_94 = arith.constant 1 : i32
      %broadcast_in_dim3A_95 = vector.broadcast %broadcast_in_dim3A_94 : i32 to vector<16xi32>
      %eq3A_96 = arith.cmpi eq, %select_n3A_86, %broadcast_in_dim3A_95 : vector<16xi32>
      %select_n3A_97 = arith.select %eq3A_96, %broadcast_in_dim3A_88, %get3A_19 : vector<16xi1>, vector<16xf32>
      %max3A_98 = arith.maximumf %max3A_93, %select_n3A_97 : vector<16xf32>
      %broadcast_in_dim3A_99 = arith.constant 2 : i32
      %broadcast_in_dim3A_100 = vector.broadcast %broadcast_in_dim3A_99 : i32 to vector<16xi32>
      %eq3A_101 = arith.cmpi eq, %select_n3A_86, %broadcast_in_dim3A_100 : vector<16xi32>
      %select_n3A_102 = arith.select %eq3A_101, %broadcast_in_dim3A_88, %get3A_24 : vector<16xi1>, vector<16xf32>
      %max3A_103 = arith.maximumf %max3A_98, %select_n3A_102 : vector<16xf32>
      %broadcast_in_dim3A_104 = arith.constant 3 : i32
      %broadcast_in_dim3A_105 = vector.broadcast %broadcast_in_dim3A_104 : i32 to vector<16xi32>
      %eq3A_106 = arith.cmpi eq, %select_n3A_86, %broadcast_in_dim3A_105 : vector<16xi32>
      %select_n3A_107 = arith.select %eq3A_106, %broadcast_in_dim3A_88, %get3A_29 : vector<16xi1>, vector<16xf32>
      %max3A_108 = arith.maximumf %max3A_103, %select_n3A_107 : vector<16xf32>
      %broadcast_in_dim3A_109 = arith.constant 4 : i32
      %broadcast_in_dim3A_110 = vector.broadcast %broadcast_in_dim3A_109 : i32 to vector<16xi32>
      %eq3A_111 = arith.cmpi eq, %select_n3A_86, %broadcast_in_dim3A_110 : vector<16xi32>
      %select_n3A_112 = arith.select %eq3A_111, %broadcast_in_dim3A_88, %get3A_34 : vector<16xi1>, vector<16xf32>
      %max3A_113 = arith.maximumf %max3A_108, %select_n3A_112 : vector<16xf32>
      %broadcast_in_dim3A_114 = arith.constant 5 : i32
      %broadcast_in_dim3A_115 = vector.broadcast %broadcast_in_dim3A_114 : i32 to vector<16xi32>
      %eq3A_116 = arith.cmpi eq, %select_n3A_86, %broadcast_in_dim3A_115 : vector<16xi32>
      %select_n3A_117 = arith.select %eq3A_116, %broadcast_in_dim3A_88, %get3A_39 : vector<16xi1>, vector<16xf32>
      %max3A_118 = arith.maximumf %max3A_113, %select_n3A_117 : vector<16xf32>
      %broadcast_in_dim3A_119 = arith.constant 6 : i32
      %broadcast_in_dim3A_120 = vector.broadcast %broadcast_in_dim3A_119 : i32 to vector<16xi32>
      %eq3A_121 = arith.cmpi eq, %select_n3A_86, %broadcast_in_dim3A_120 : vector<16xi32>
      %select_n3A_122 = arith.select %eq3A_121, %broadcast_in_dim3A_88, %get3A_44 : vector<16xi1>, vector<16xf32>
      %max3A_123 = arith.maximumf %max3A_118, %select_n3A_122 : vector<16xf32>
      %broadcast_in_dim3A_124 = arith.constant 7 : i32
      %broadcast_in_dim3A_125 = vector.broadcast %broadcast_in_dim3A_124 : i32 to vector<16xi32>
      %eq3A_126 = arith.cmpi eq, %select_n3A_86, %broadcast_in_dim3A_125 : vector<16xi32>
      %select_n3A_127 = arith.select %eq3A_126, %broadcast_in_dim3A_88, %get3A_49 : vector<16xi1>, vector<16xf32>
      %max3A_128 = arith.maximumf %max3A_123, %select_n3A_127 : vector<16xf32>
      %broadcast_in_dim3A_129 = arith.constant 7 : i32
      %broadcast_in_dim3A_130 = vector.broadcast %broadcast_in_dim3A_129 : i32 to vector<16xi32>
      %broadcast_in_dim3A_131 = arith.constant 7 : i32
      %broadcast_in_dim3A_132 = vector.broadcast %broadcast_in_dim3A_131 : i32 to vector<16xi32>
      %eq3A_133 = arith.cmpf oeq, %get3A_49, %max3A_128 : vector<16xf32>
      %ne3A = arith.cmpi ne, %select_n3A_86, %broadcast_in_dim3A_132 : vector<16xi32>
      %and3A = arith.andi %eq3A_133, %ne3A : vector<16xi1>
      %select_n3A_134 = arith.select %and3A, %broadcast_in_dim3A_132, %broadcast_in_dim3A_130 : vector<16xi1>, vector<16xi32>
      %broadcast_in_dim3A_135 = arith.constant 6 : i32
      %broadcast_in_dim3A_136 = vector.broadcast %broadcast_in_dim3A_135 : i32 to vector<16xi32>
      %eq3A_137 = arith.cmpf oeq, %get3A_44, %max3A_128 : vector<16xf32>
      %ne3A_138 = arith.cmpi ne, %select_n3A_86, %broadcast_in_dim3A_136 : vector<16xi32>
      %and3A_139 = arith.andi %eq3A_137, %ne3A_138 : vector<16xi1>
      %select_n3A_140 = arith.select %and3A_139, %broadcast_in_dim3A_136, %select_n3A_134 : vector<16xi1>, vector<16xi32>
      %broadcast_in_dim3A_141 = arith.constant 5 : i32
      %broadcast_in_dim3A_142 = vector.broadcast %broadcast_in_dim3A_141 : i32 to vector<16xi32>
      %eq3A_143 = arith.cmpf oeq, %get3A_39, %max3A_128 : vector<16xf32>
      %ne3A_144 = arith.cmpi ne, %select_n3A_86, %broadcast_in_dim3A_142 : vector<16xi32>
      %and3A_145 = arith.andi %eq3A_143, %ne3A_144 : vector<16xi1>
      %select_n3A_146 = arith.select %and3A_145, %broadcast_in_dim3A_142, %select_n3A_140 : vector<16xi1>, vector<16xi32>
      %broadcast_in_dim3A_147 = arith.constant 4 : i32
      %broadcast_in_dim3A_148 = vector.broadcast %broadcast_in_dim3A_147 : i32 to vector<16xi32>
      %eq3A_149 = arith.cmpf oeq, %get3A_34, %max3A_128 : vector<16xf32>
      %ne3A_150 = arith.cmpi ne, %select_n3A_86, %broadcast_in_dim3A_148 : vector<16xi32>
      %and3A_151 = arith.andi %eq3A_149, %ne3A_150 : vector<16xi1>
      %select_n3A_152 = arith.select %and3A_151, %broadcast_in_dim3A_148, %select_n3A_146 : vector<16xi1>, vector<16xi32>
      %broadcast_in_dim3A_153 = arith.constant 3 : i32
      %broadcast_in_dim3A_154 = vector.broadcast %broadcast_in_dim3A_153 : i32 to vector<16xi32>
      %eq3A_155 = arith.cmpf oeq, %get3A_29, %max3A_128 : vector<16xf32>
      %ne3A_156 = arith.cmpi ne, %select_n3A_86, %broadcast_in_dim3A_154 : vector<16xi32>
      %and3A_157 = arith.andi %eq3A_155, %ne3A_156 : vector<16xi1>
      %select_n3A_158 = arith.select %and3A_157, %broadcast_in_dim3A_154, %select_n3A_152 : vector<16xi1>, vector<16xi32>
      %broadcast_in_dim3A_159 = arith.constant 2 : i32
      %broadcast_in_dim3A_160 = vector.broadcast %broadcast_in_dim3A_159 : i32 to vector<16xi32>
      %eq3A_161 = arith.cmpf oeq, %get3A_24, %max3A_128 : vector<16xf32>
      %ne3A_162 = arith.cmpi ne, %select_n3A_86, %broadcast_in_dim3A_160 : vector<16xi32>
      %and3A_163 = arith.andi %eq3A_161, %ne3A_162 : vector<16xi1>
      %select_n3A_164 = arith.select %and3A_163, %broadcast_in_dim3A_160, %select_n3A_158 : vector<16xi1>, vector<16xi32>
      %broadcast_in_dim3A_165 = arith.constant 1 : i32
      %broadcast_in_dim3A_166 = vector.broadcast %broadcast_in_dim3A_165 : i32 to vector<16xi32>
      %eq3A_167 = arith.cmpf oeq, %get3A_19, %max3A_128 : vector<16xf32>
      %ne3A_168 = arith.cmpi ne, %select_n3A_86, %broadcast_in_dim3A_166 : vector<16xi32>
      %and3A_169 = arith.andi %eq3A_167, %ne3A_168 : vector<16xi1>
      %select_n3A_170 = arith.select %and3A_169, %broadcast_in_dim3A_166, %select_n3A_164 : vector<16xi1>, vector<16xi32>
      %broadcast_in_dim3A_171 = arith.constant 0 : i32
      %broadcast_in_dim3A_172 = vector.broadcast %broadcast_in_dim3A_171 : i32 to vector<16xi32>
      %eq3A_173 = arith.cmpf oeq, %get3A_14, %max3A_128 : vector<16xf32>
      %ne3A_174 = arith.cmpi ne, %select_n3A_86, %broadcast_in_dim3A_172 : vector<16xi32>
      %and3A_175 = arith.andi %eq3A_173, %ne3A_174 : vector<16xi1>
      %select_n3A_176 = arith.select %and3A_175, %broadcast_in_dim3A_172, %select_n3A_170 : vector<16xi1>, vector<16xi32>
      %sub3A = arith.subf %max3A_128, %max3A_55 : vector<16xf32>
      %exp3A = math.exp %sub3A : vector<16xf32>
      %add3A_177 = arith.constant 1.000000e+00 : f32
      %add3A_178 = vector.broadcast %add3A_177 : f32 to vector<16xf32>
      %add3A_179 = arith.addf %add3A_178, %exp3A : vector<16xf32>
      %div3A = arith.constant 1.000000e+00 : f32
      %div3A_180 = vector.broadcast %div3A : f32 to vector<16xf32>
      %div3A_181 = arith.divf %div3A_180, %add3A_179 : vector<16xf32>
      %swap3A = arith.constant 0 : i32
      %swap3A_182 = arith.index_cast %swap3A : i32 to index
      %swap3A_183 = arith.index_cast %mul3A_10 : i32 to index
      %swap3A_184 = tpu.vector_load %arg6[%swap3A_182, %swap3A_183] {strides = array<i32>} : memref<2x1024xf32, #tpu.memory_space<vmem>>, vector<1x16xf32>,
      %swap3A_185 = vector.shape_cast %swap3A_184 : vector<1x16xf32> to vector<16xf32>
      %swap3A_186 = vector.shape_cast %div3A_181 : vector<16xf32> to vector<1x16xf32>
      tpu.vector_store %arg6[%swap3A_182, %swap3A_183], %swap3A_186 {strides = array<i32>} : memref<2x1024xf32, #tpu.memory_space<vmem>>, vector<1x16xf32>,
      %sub3A_187 = arith.constant 1.000000e+00 : f32
      %sub3A_188 = vector.broadcast %sub3A_187 : f32 to vector<16xf32>
      %sub3A_189 = arith.subf %sub3A_188, %div3A_181 : vector<16xf32>
      %swap3A_190 = arith.constant 1 : i32
      %swap3A_191 = arith.index_cast %swap3A_190 : i32 to index
      %swap3A_192 = arith.index_cast %mul3A_10 : i32 to index
      %swap3A_193 = tpu.vector_load %arg6[%swap3A_191, %swap3A_192] {strides = array<i32>} : memref<2x1024xf32, #tpu.memory_space<vmem>>, vector<1x16xf32>,
      %swap3A_194 = vector.shape_cast %swap3A_193 : vector<1x16xf32> to vector<16xf32>
      %swap3A_195 = vector.shape_cast %sub3A_189 : vector<16xf32> to vector<1x16xf32>
      tpu.vector_store %arg6[%swap3A_191, %swap3A_192], %swap3A_195 {strides = array<i32>} : memref<2x1024xf32, #tpu.memory_space<vmem>>, vector<1x16xf32>,
      %swap3A_196 = arith.constant 0 : i32
      %swap3A_197 = arith.index_cast %swap3A_196 : i32 to index
      %swap3A_198 = arith.index_cast %mul3A_10 : i32 to index
      %swap3A_199 = tpu.vector_load %arg7[%swap3A_197, %swap3A_198] {strides = array<i32>} : memref<2x1024xi32, #tpu.memory_space<vmem>>, vector<1x16xi32>,
      %swap3A_200 = vector.shape_cast %swap3A_199 : vector<1x16xi32> to vector<16xi32>
      %swap3A_201 = vector.shape_cast %select_n3A_86 : vector<16xi32> to vector<1x16xi32>
      tpu.vector_store %arg7[%swap3A_197, %swap3A_198], %swap3A_201 {strides = array<i32>} : memref<2x1024xi32, #tpu.memory_space<vmem>>, vector<1x16xi32>,
      %swap3A_202 = arith.constant 1 : i32
      %swap3A_203 = arith.index_cast %swap3A_202 : i32 to index
      %swap3A_204 = arith.index_cast %mul3A_10 : i32 to index
      %swap3A_205 = tpu.vector_load %arg7[%swap3A_203, %swap3A_204] {strides = array<i32>} : memref<2x1024xi32, #tpu.memory_space<vmem>>, vector<1x16xi32>,
      %swap3A_206 = vector.shape_cast %swap3A_205 : vector<1x16xi32> to vector<16xi32>
      %swap3A_207 = vector.shape_cast %select_n3A_176 : vector<16xi32> to vector<1x16xi32>
      tpu.vector_store %arg7[%swap3A_203, %swap3A_204], %swap3A_207 {strides = array<i32>} : memref<2x1024xi32, #tpu.memory_space<vmem>>, vector<1x16xi32>,
    }
    %scan3A_7 = arith.constant 64 : i32
    "tpu.region"() ({
      %run_scoped3A = tpu.sem_alloc : memref<!tpu.dma_semaphore, #tpu.memory_space<semaphore_mem>>
      %dma_start3A = arith.constant 0 : i32
      %dma_start3A_8 = tpu.memref_slice %arg3[%dma_start3A, %mul3A_2] : memref<2x32768xf32, #tpu.memory_space<hbm>> -> memref<2x1024xf32, #tpu.memory_space<hbm>>
      %dma_start3A_9 = arith.constant 0 : i32
      %dma_start3A_10 = tpu.memref_slice %arg3[%dma_start3A_9, %mul3A_2] : memref<2x32768xf32, #tpu.memory_space<hbm>> -> memref<2x1024xf32, #tpu.memory_space<hbm>>
      tpu.enqueue_dma source(%arg6 : memref<2x1024xf32, #tpu.memory_space<vmem>>) target(%dma_start3A_10 : memref<2x1024xf32, #tpu.memory_space<hbm>>) target_semaphore(%run_scoped3A : memref<!tpu.dma_semaphore, #tpu.memory_space<semaphore_mem>>)
      %dma_wait3A = arith.constant 0 : i32
      %dma_wait3A_11 = tpu.memref_slice %arg3[%dma_wait3A, %mul3A_2] : memref<2x32768xf32, #tpu.memory_space<hbm>> -> memref<2x1024xf32, #tpu.memory_space<hbm>>
      %dma_wait3A_12 = arith.constant 0 : i32
      %dma_wait3A_13 = tpu.memref_slice %arg3[%dma_wait3A_12, %mul3A_2] : memref<2x32768xf32, #tpu.memory_space<hbm>> -> memref<2x1024xf32, #tpu.memory_space<hbm>>
      tpu.wait_dma2 semaphore(%run_scoped3A : memref<!tpu.dma_semaphore, #tpu.memory_space<semaphore_mem>>) src(%arg6 : memref<2x1024xf32, #tpu.memory_space<vmem>>) dst(%dma_wait3A_13 : memref<2x1024xf32, #tpu.memory_space<hbm>>)
      tpu.yield
    }) : () -> ()
    "tpu.region"() ({
      %run_scoped3A = tpu.sem_alloc : memref<!tpu.dma_semaphore, #tpu.memory_space<semaphore_mem>>
      %dma_start3A = arith.constant 0 : i32
      %dma_start3A_8 = tpu.memref_slice %arg4[%dma_start3A, %mul3A_2] : memref<2x32768xi32, #tpu.memory_space<hbm>> -> memref<2x1024xi32, #tpu.memory_space<hbm>>
      %dma_start3A_9 = arith.constant 0 : i32
      %dma_start3A_10 = tpu.memref_slice %arg4[%dma_start3A_9, %mul3A_2] : memref<2x32768xi32, #tpu.memory_space<hbm>> -> memref<2x1024xi32, #tpu.memory_space<hbm>>
      tpu.enqueue_dma source(%arg7 : memref<2x1024xi32, #tpu.memory_space<vmem>>) target(%dma_start3A_10 : memref<2x1024xi32, #tpu.memory_space<hbm>>) target_semaphore(%run_scoped3A : memref<!tpu.dma_semaphore, #tpu.memory_space<semaphore_mem>>)
      %dma_wait3A = arith.constant 0 : i32
      %dma_wait3A_11 = tpu.memref_slice %arg4[%dma_wait3A, %mul3A_2] : memref<2x32768xi32, #tpu.memory_space<hbm>> -> memref<2x1024xi32, #tpu.memory_space<hbm>>
      %dma_wait3A_12 = arith.constant 0 : i32
      %dma_wait3A_13 = tpu.memref_slice %arg4[%dma_wait3A_12, %mul3A_2] : memref<2x32768xi32, #tpu.memory_space<hbm>> -> memref<2x1024xi32, #tpu.memory_space<hbm>>
      tpu.wait_dma2 semaphore(%run_scoped3A : memref<!tpu.dma_semaphore, #tpu.memory_space<semaphore_mem>>) src(%arg7 : memref<2x1024xi32, #tpu.memory_space<vmem>>) dst(%dma_wait3A_13 : memref<2x1024xi32, #tpu.memory_space<hbm>>)
      tpu.yield
    }) : () -> ()
    return
  }
}

module attributes {stable_mosaic.version = 14 : i64} {
  func.func @_matmul_body(%arg0: i32, %arg1: memref<4096x768xf32, #tpu.memory_space<vmem>>, %arg2: memref<8x768xf32, #tpu.memory_space<vmem>>, %arg3: memref<8x4096xf32, #tpu.memory_space<vmem>>) attributes {dimension_semantics = [#tpu.dimension_semantics<arbitrary>], iteration_bounds = array<i64: 8>, scalar_prefetch = 0 : i64, scratch_operands = 0 : i64, tpu.core_type = #tpu.core_type<tc>, window_params = [{transform_indices = @transform_0, window_bounds = array<i64: 4096, 768>}, {pipeline_mode = #tpu.pipeline_mode<synchronous>, transform_indices = @transform_1, window_bounds = array<i64: 8, 768>}, {transform_indices = @transform_2, window_bounds = array<i64: 8, 4096>}]} {
    %get3A = arith.constant 0 : index
    %get3A_0 = arith.constant 0 : index
    %get3A_1 = vector.load %arg1[%get3A, %get3A_0] : memref<4096x768xf32, #tpu.memory_space<vmem>>, vector<4096x768xf32>
    %get3A_2 = arith.constant 0 : index
    %get3A_3 = arith.constant 0 : index
    %get3A_4 = vector.load %arg2[%get3A_2, %get3A_3] : memref<8x768xf32, #tpu.memory_space<vmem>>, vector<8x768xf32>
    %dot_general3A = arith.constant dense<0.000000e+00> : vector<4096x8xf32>
    %dot_general3A_5 = tpu.matmul %get3A_1, %get3A_4, %dot_general3A {dimension_numbers = #tpu.dot_dimension_numbers<[1], [1], [0], [0], [0, 0, 1, 0], [], []>, transpose_lhs_hint = false} : vector<4096x768xf32>, vector<8x768xf32>, vector<4096x8xf32> -> vector<4096x8xf32>
    %transpose3A = tpu.transpose %dot_general3A_5, [1, 0] : vector<4096x8xf32> -> vector<8x4096xf32>
    %swap3A = arith.constant 0 : index
    %swap3A_6 = arith.constant 0 : index
    %swap3A_7 = vector.load %arg3[%swap3A, %swap3A_6] : memref<8x4096xf32, #tpu.memory_space<vmem>>, vector<8x4096xf32>
    tpu.vector_store %arg3[%swap3A, %swap3A_6], %transpose3A {strides = array<i32>} : memref<8x4096xf32, #tpu.memory_space<vmem>>, vector<8x4096xf32>,
    return
  }
  func.func @transform_0(%arg0: i32) -> (i32, i32) {
    %add3A = arith.constant 0 : i32
    %add3A_0 = arith.addi %arg0, %add3A : i32
    %c0_i32 = arith.constant 0 : i32
    %c0_i32_1 = arith.constant 0 : i32
    return %add3A_0, %c0_i32 : i32, i32
  }
  func.func @transform_1(%arg0: i32) -> (i32, i32) {
    %c0_i32 = arith.constant 0 : i32
    %c0_i32_0 = arith.constant 0 : i32
    %c0_i32_1 = arith.constant 0 : i32
    return %c0_i32, %c0_i32_0 : i32, i32
  }
  func.func @transform_2(%arg0: i32) -> (i32, i32) {
    %c0_i32 = arith.constant 0 : i32
    %c0_i32_0 = arith.constant 0 : i32
    return %c0_i32, %arg0 : i32, i32
  }
}

</mosaic_0001>

<sc_bundles>
// kernel: kernel.4.cloned.1.call-start
scs
__scs_entry_jumppad:
0x0: {  	(pc) =	sbr.rel $0x88, $3  }
0x1: {  	(tag) =	ssettag $0x0;
	lr =	simm.s32 $0x1  }
0x2: {  	[smem:$0x3F9F] =	sst lr;
	_ =	strace $0xD0000000  }
0x3: {  	_ = 	snop  }
0x4: {  	_ = 	snop  }
0x5: {  	_ = 	snop  }
0x6: {  	_ = 	snop  }
0x7: {  	_ = 	snop  }
__scs_overlays_trampoline_lowered:
0x8: {  	[smem:$0x3FAE] =	sst s0  }
0x9: {  	[smem:$0x3FAF] =	sst s1  }
0xa: {  	[smem:$0x3FB0] =	sst s2  }
0xb: {  	[smem:$0x3FB1] =	sst s3  }
0xc: {  	[smem:$0x3FB2] =	sst s4  }
0xd: {  	[smem:$0x3FB3] =	sst s5  }
0xe: {  	[smem:$0x3FB4] =	sst s6  }
0xf: {  	[smem:$0x3FB5] =	sst s7  }
0x10: {  	[smem:$0x3FB6] =	sst s8  }
0x11: {  	[smem:$0x3FB7] =	sst s9;
	s0 =	simm.s32 @!p0 $0x0  }
0x12: {  	s1 =	sld [smem:$0x3F9D];
	s0 =	simm.s32 @p0 $0x1  }
0x13: {  	[smem:$0x3FB8] =	sst s0;
	s0 =	simm.s32 @!p1 $0x0  }
0x14: {  	s2 =	sld [smem:$0x3F9C];
	s0 =	simm.s32 @p1 $0x1  }
0x15: {  	[smem:$0x3FB9] =	sst s0;
	s0 =	simm.s32 @!p2 $0x0  }
0x16: {  	s3 =	sld [smem:$0x3FDB];
	s0 =	simm.s32 @p2 $0x1  }
0x17: {  	s4 =	simm.s32 $0x1BF5;
	[smem:$0x3FBB] =	sst s0  }
0x18: {  	s0 =	sld [smem:$0x3F9E];
	_ =	swait.ge [sflag:s4], $0x0  }
0x19: {  	s7 =	sld [smem:$0x3F9F]  }
0x1a: {  	s8 =	sadd.s32 $0xFFFFE003, lr  }
0x1b: {  	s9 =	sadd.s32 $0xFFFFFEF7, lr;
	s5 =	simm.s32 $0xFFFFFFFF;
	p2 =	slt.u32 s8, $0xFFFFF086  }
0x1c: {  	p1 =	slt.u32 s9, $0xF7A;
	s5 =	simm.s32 @!p2 $0x0  }
0x1d: {  	s5 =	simm.s32 @p1 $0x1;
	p0 =	seq.s32 s7, s2  }
0x1e: {  	s7 =	smul.u32 @!p0 $0xF7A, s2;
	p2 =	seq.s32 @!p0 s5, $0x0  }
0x1f: {  	s9 =	smul.u32 $0xF7A, s1;
	s8 =	simm.s32 @!p0 $0x1BF5;
	p2 =	por !p2, p0  }
0x20: {  	[sflag:s8] =	ssyncset.s32 @!p0 $0xFFFFF086;
	s6 =	sadd.s32 @!p0 s3, s7;
	s7 =	simm.s32 @!p0 $0x108  }
0x21: {  	s3 =	sadd.s32 s3, s9;
	s6 =	sadd.s32 @!p0 $0x88, s6;
	s7 =	simm.s32 @p2 $0x1082  }
0x22: {  	[simem:s7], [sflag:s8] =	dma.local @!p0 [hbm:s6], $0xF7A  }
0x23: {  	s9 =	sor.u32 $0xD0000000, s2;
	s6 =	simm.s32 $0x108;
	_ =	swait.ge @!p0 [sflag:s8], $0x0  }
0x24: {  	s3 =	sadd.s32 $0x88, s3;
	s6 =	simm.s32 @!p1 $0x1082;
	[sflag:s4] =	ssyncset.s32 $0xFFFFF086  }
0x25: {  	[simem:s6], [sflag:s4] =	dma.local [hbm:s3], $0xF7A  }
0x26: {  	[smem:$0x3F9F] =	sst s1;
	(tag) =	ssettag s2;
	_ =	strace s9  }
0x27: {  	s1 =	sld [smem:$0x3FAF]  }
0x28: {  	s2 =	sld [smem:$0x3FB0]  }
0x29: {  	s4 =	sld [smem:$0x3FB2]  }
0x2a: {  	p0 =	seq.s32 s5, $0x0;
	s5 =	sld [smem:$0x3FB3]  }
0x2b: {  	s6 =	sld [smem:$0x3FB4]  }
0x2c: {  	s7 =	sld [smem:$0x3FB5]  }
0x2d: {  	s3 =	simm.s32 $0x108;
	s8 =	sld [smem:$0x3FB6]  }
0x2e: {  	s3 =	simm.s32 @!p0 $0x1082;
	s9 =	sld [smem:$0x3FB7]  }
0x2f: {  	lr =	sadd.s32 s0, s3;
	s0 =	sld [smem:$0x3FAE]  }
0x30: {  	s3 =	sld [smem:$0x3FB1]  }
0x31: {  	[smem:$0x3FBA] =	sst s10  }
0x32: {  	s10 =	sld [smem:$0x3FB8];
	_ =	sdelay $0x3  }
0x33: {  	p0 =	seq.s32 s10, $0x1;
	s10 =	sld [smem:$0x3FBA];
	_ =	sdelay $0x3  }
0x34: {  	[smem:$0x3FBA] =	sst s10  }
0x35: {  	s10 =	sld [smem:$0x3FB9];
	_ =	sdelay $0x3  }
0x36: {  	p1 =	seq.s32 s10, $0x1;
	s10 =	sld [smem:$0x3FBA];
	_ =	sdelay $0x3  }
0x37: {  	[smem:$0x3FBA] =	sst s10  }
0x38: {  	s10 =	sld [smem:$0x3FBB]  }
0x39: {  	_ = 	snop;
	(pc) =	sbr.ind lr, $3  }
0x3a: {  	_ = 	snop  }
0x3b: {  	_ = 	snop  }
0x3c: {  	p2 =	seq.s32 s10, $0x1;
	s10 =	sld [smem:$0x3FBA]  }
0x3d: {  	_ =	shalt  }
0x3e: {  	_ =	shalt  }
0x3f: {  	_ =	shalt  }
0x40: {  	_ =	shalt  }
0x41: {  	_ =	shalt  }
0x42: {  	_ =	shalt  }
0x43: {  	_ =	shalt  }
0x44: {  	_ =	shalt  }
0x45: {  	_ =	shalt  }
0x46: {  	_ =	shalt  }
0x47: {  	_ =	shalt  }
0x48: {  	_ =	shalt  }
0x49: {  	_ =	shalt  }
0x4a: {  	_ =	shalt  }
0x4b: {  	_ =	shalt  }
0x4c: {  	_ =	shalt  }
0x4d: {  	_ =	shalt  }
0x4e: {  	_ =	shalt  }
0x4f: {  	_ =	shalt  }
0x50: {  	_ =	shalt  }
0x51: {  	_ =	shalt  }
0x52: {  	_ =	shalt  }
0x53: {  	_ =	shalt  }
0x54: {  	_ =	shalt  }
0x55: {  	_ =	shalt  }
0x56: {  	_ =	shalt  }
0x57: {  	_ =	shalt  }
0x58: {  	_ =	shalt  }
0x59: {  	_ =	shalt  }
0x5a: {  	_ =	shalt  }
0x5b: {  	_ =	shalt  }
0x5c: {  	_ =	shalt  }
0x5d: {  	_ =	shalt  }
0x5e: {  	_ =	shalt  }
0x5f: {  	_ =	shalt  }
0x60: {  	_ =	shalt  }
0x61: {  	_ =	shalt  }
0x62: {  	_ =	shalt  }
0x63: {  	_ =	shalt  }
0x64: {  	_ =	shalt  }
0x65: {  	_ =	shalt  }
0x66: {  	_ =	shalt  }
0x67: {  	_ =	shalt  }
0x68: {  	_ =	shalt  }
0x69: {  	_ =	shalt  }
0x6a: {  	_ =	shalt  }
0x6b: {  	_ =	shalt  }
0x6c: {  	_ =	shalt  }
0x6d: {  	_ =	shalt  }
0x6e: {  	_ =	shalt  }
0x6f: {  	_ =	shalt  }
0x70: {  	_ =	shalt  }
0x71: {  	_ =	shalt  }
0x72: {  	_ =	shalt  }
0x73: {  	_ =	shalt  }
0x74: {  	_ =	shalt  }
0x75: {  	_ =	shalt  }
0x76: {  	_ =	shalt  }
0x77: {  	_ =	shalt  }
0x78: {  	_ =	shalt  }
0x79: {  	_ =	shalt  }
0x7a: {  	_ =	shalt  }
0x7b: {  	_ =	shalt  }
0x7c: {  	_ =	shalt  }
0x7d: {  	_ =	shalt  }
0x7e: {  	_ =	shalt  }
0x7f: {  	_ =	shalt  }
0x80: {  	_ =	shalt  }
0x81: {  	_ =	shalt  }
0x82: {  	_ =	shalt  }
0x83: {  	_ =	shalt  }
0x84: {  	_ =	shalt  }
0x85: {  	_ =	shalt  }
0x86: {  	_ =	shalt  }
0x87: {  	_ =	shalt  }
.Lfunc_end0:
.L_simem_size_0:
called_computation_lowered:
.L_overlay_start_0:
0x88: {  	s2 =	sld [smem:$0x3FD9]  }
0x89: {  	s3 =	sld [smem:$0x3FFE];
	_ =	sdelay $0x1  }
0x8a: {  	s1 =	srdreg.scid  }
0x8b: {  	s0 =	sand.u32 $0x1, s1  }
0x8c: {  	s14 =	sshll.u32 s0, $0xA;
	s2 =	sadd.s32 s3, s2  }
0x8d: {  	s2 =	sadd.s32 s2, s14  }
0x8e: {  	[smem:$0x3FC6] =	sst s2  }
0x8f: {  	_ = 	snop  }
0x90: {  	s2 =	sld [smem:$0x3FD0];
	_ =	sdelay $0x2  }
0x91: {  	s15 =	simm.s32 $0xA;
	s4 =	simm.s32 $0x10  }
0x92: {  	[smem:s4], [sflag:s15] =	dma.local [hbm:s2], $0x1  }
0x93: {  	_ =	swait.eq [sflag:s15], $0x1  }
0x94: {  	[sflag:s15] =	ssyncset.done $0x0  }
0x95: {  	s16 =	sld [smem:$0x10];
	[sflag:s15] =	ssyncadd.s32 $0xFFFFFFFF  }
0x96: {  	s17 =	sld [smem:$0x11];
	(tm) =	ssettm $0x1  }
0x97: {  	s18 =	sld [smem:$0x3FFB];
	_ =	sdelay $0x3  }
0x98: {  	_ =	strace s18  }
0x99: {  	s4 =	sld [smem:$0x3FFC];
	_ =	sdelay $0x3  }
0x9a: {  	_ =	strace s4  }
0x9b: {  	s4 =	sld [smem:$0x3FFD];
	_ =	sdelay $0x3  }
0x9c: {  	_ =	strace s4  }
0x9d: {  	_ =	strace $0x8FFFFFFF  }
0x9e: {  	s19 =	sld [smem:$0x3FDB];
	_ =	sdelay $0x1  }
0x9f: {  	s5 =	simm.s32 $_scs_section_size  }
0xa0: {  	s6 =	simm.s32 $_size__tile_overlayer_lowered;
	s7 =	simm.s32 $_tile_overlayer_lowered  }
0xa1: {  	s22 =	simm.s32 $0x1BFF;
	s21 =	sshll.u32 s7, $0x1;
	s4 =	sadd.s32 s5, s19  }
0xa2: {  	s8 =	simm.s32 $0x0;
	s20 =	sshll.u32 s6, $0x1;
	s6 =	sadd.s32 s21, s4  }
0xa3: {  	[timem:s8], [sflag:s22] =	dma.local [hbm:s6], s20  }
0xa4: {  	_ =	swait.ge [sflag:s22], s20  }
0xa5: {  	s5 =	ssub.s32 $0x0, s20;
	[sflag:s22] =	ssyncset.done $0x0  }
0xa6: {  	[sflag:s22] =	ssyncadd.s32 s5;
	_ =	sdelay $0x1  }
0xa7: {  	s23 =	simm.s32 $0x1B8B  }
0xa8: {  	_ =	swait.ge [sflag:s23], $0x1  }
0xa9: {  	[sflag:s23] =	ssyncset.done $0x0  }
0xaa: {  	s25 =	simm.s32 $0x1B8E;
	s24 =	sld [smem:$0x3FFE];
	[sflag:s23] =	ssyncadd.s32 $0xFFFFFFFF  }
0xab: {  	s26 =	simm.s32 $execute0_lowered;
	[smem:$0x3FD2] =	sst s25  }
0xac: {  	s6 =	sshll.u32 s26, $0x1;
	_ =	strace $0x80000046;
	[dreg:$0x1] =	wrdreg $0xFFFFFFFF  }
0xad: {  	s28 =	simm.s32 $_size_execute0_lowered;
	s4 =	sadd.s32 s4, s6;
	[dreg:$0x0] =	wrdreg $0x0  }
0xae: {  	s6 =	sshll.u32 s28, $0x1;
	[dreg:$0x2] =	wrdreg s4  }
0xaf: {  	[dreg:$0x3] =	wrdreg s6  }
0xb0: {  	[dreg:$0x4] =	wrdreg $0xC0  }
0xb1: {  	_ =	task [dreg:s8], $0x5FFFF  }
0xb2: {  	[dreg:$0x1] =	wrdreg $0xFFFFFFFF  }
0xb3: {  	[dreg:$0x0] =	wrdreg $0x60  }
0xb4: {  	[dreg:$0x2] =	wrdreg s24  }
0xb5: {  	[dreg:$0x3] =	wrdreg s16  }
0xb6: {  	[dreg:$0x4] =	wrdreg s17  }
0xb7: {  	[dreg:$0x5] =	wrdreg $0x9  }
0xb8: {  	_ =	task.clear_ibuf [dreg:s8], $0x6FFFF;
	_ =	strace $0x90000046  }
0xb9: {  	s29 =	simm.s32 $0x9;
	_ =	strace $0x80000048  }
0xba: {  	_ =	swait.ge [sflag:s29], $0x1  }
0xbb: {  	[sflag:s29] =	ssyncadd.s32 $0xFFFFFFFF  }
0xbc: {  	_ =	strace $0x90000048  }
0xbd: {  	_ =	sfence  }
0xbe: {  	s30 =	sld [smem:$0x0];
	_ =	sdelay $0x2  }
0xbf: {  	s31 =	sshll.u32 s1, $0xD;
	s1 =	sshrl.u32 s1, $0x2  }
0xc0: {  	s3 =	sand.u32 $0x4000, s31;
	s1 =	sadd.s32 s1, s30  }
0xc1: {  	s0 =	sor.u32 s3, s0;
	s1 =	sshll.u32 s1, $0x11  }
0xc2: {  	s0 =	sor.u32 s1, s0  }
0xc3: {  	s0 =	sadd.s32 $0x8F2B, s0  }
0xc4: {  	[sflag:s0] =	ssyncadd.remote.s32 $0x1  }
0xc5: {  	_ =	sfence.sel $0xFFFF  }
0xc6: {  	[dreg:$0x0] =	wrdreg $0xFFFFFFFF;
	(pc) =	sbr.abs _section_cstart, $3  }
0xc7: {  	[dreg:$0x1] =	wrdreg $0xFFFFFFFF  }
0xc8: {  	_ =	task.clear_ibuf [dreg:s8], $0x2FFFF;
	_ =	strace $0x9FFFFFFF  }
0xc9: {  	(tm) =	ssettm $0x7FFFFFFF  }
tec
execute0_lowered:
.L_overlay_start_1:
0x0: {  	(tag) =	ssettag $0x1  }
0x1: {  	s3 =	rddreg [dreg:$0x0]  }
0x2: {  	s4 =	rddreg [dreg:$0x1]  }
0x3: {  	s5 =	rddreg [dreg:$0x2]  }
0x4: {  	s0 =	rddreg [dreg:$0x3];
	s6 =	srdreg.scid  }
0x5: {  	s2 =	simm.s32 $0x0;
	s1 =	stileid.u32;
	s9 =	simm.s32 $0x2800  }
0x6: {  	s10 =	simm.s32 $0x0;
	s6 =	sand.u32 $0x1, s6;
	[smem:$0x7FF] =	sst s2  }
0x7: {  	s7 =	sshll.u32 s1, $0xB;
	s8 =	sshll.u32 s6, $0xA;
	s6 =	ssub.s32 $0x2, s6  }
0x8: {  	_ =	strace $0x80000047;
	s7 =	sor.u32 s8, s7;
	s31 =	sshrl.u32 s6, $0x1  }
0x9: {  	s8 =	simm.s32 $0x2000;
	s3 =	sadd.s32 s7, s3;
	s7 =	sshrl.u32 s7, $0x2  }
0xa: {  	s6 =	ssub.s32 s6, s31;
	s3 =	sadd.s32 $0xC00, s3;
	s4 =	sadd.s32 s4, s7  }
0xb: {  	v0 =	vimm.s32 $0x7;
	s5 =	sadd.s32 s5, s7;
	s6 =	smax.u32 s6, $0x1;
	s7 =	simm.s32 $0x1  }
.LBB2_1:
0xc: {  	[tilespmem:s2], [sflag:$0x1] =	stream.linear.gather [hbm4b:s3+s2], $0x2000, $0x38;
	[tilespmem:$0x3000] =	vst v63  }
0xd: {  	s12 =	simm.s32 $0x0;
	_ =	swait.ge [sflag:s7], $0x2000  }
0xe: {  	s11 =	sand.u32 $0x70, s2;
	s12 =	sand.u32 $0x3FFFFC00, s12;
	[sflag:s7] =	ssyncset.done $0x0  }
0xf: {  	s12 =	sor.u32 s11, s12;
	[sflag:s7] =	ssyncadd.s32 $0xFFFFE000  }
0x10: {  	v1 =	vld [tilespmem:s12+$0x0]  }
0x11: {  	v2 =	vld [tilespmem:s12+$0x80]  }
0x12: {  	v3 =	vld [tilespmem:s12+$0x100]  }
0x13: {  	v4 =	vld [tilespmem:s12+$0x180]  }
0x14: {  	v5 =	vld [tilespmem:s12+$0x200]  }
0x15: {  	v6 =	vld [tilespmem:s12+$0x280]  }
0x16: {  	v7 =	vld [tilespmem:s12+$0x300];
	v8 =	vmax.f32 v1, v2  }
0x17: {  	v9 =	vld [tilespmem:s12+$0x380];
	v10 =	vmax.f32 v8, v3  }
0x18: {  	v10 =	vmax.f32 v10, v4  }
0x19: {  	v10 =	vmax.f32 v10, v5  }
0x1a: {  	v10 =	vmax.f32 v10, v6  }
0x1b: {  	v10 =	vmax.f32 v10, v7  }
0x1c: {  	v10 =	vmax.f32 v10, v9  }
0x1d: {  	vm0 =	veq.f32 v7, v10  }
0x1e: {  	vm1 =	veq.f32 v6, v10;
	v11 =	vsel vm0, $0x6, v0  }
0x1f: {  	vm14 =	veq.f32 v5, v10;
	v11 =	vsel vm1, $0x5, v11  }
0x20: {  	vm15 =	veq.f32 v3, v10;
	vm2 =	veq.f32 v4, v10;
	v11 =	vsel vm14, $0x4, v11  }
0x21: {  	vm3 =	veq.f32 v2, v10;
	vm0 =	vne.f32 v1, v10;
	v11 =	vsel vm2, $0x3, v11  }
0x22: {  	vm4 =	vmand vm0, vm3;
	v11 =	vsel vm15, $0x2, v11  }
0x23: {  	v8 =	vsel vm4, v1, v8;
	v11 =	vsel vm3, $0x1, v11  }
0x24: {  	v8 =	vsel vm0, v8, v2;
	v11 =	vnsel vm0, $0x0, v11  }
0x25: {  	v12 =	vmax.f32 v8, v3;
	vm5 =	veq.s32 v11, $0x2  }
0x26: {  	v8 =	vsel vm5, v8, v12  }
0x27: {  	vm6 =	veq.s32 v11, $0x3;
	v8 =	vmax.f32 v8, v4  }
0x28: {  	v12 =	vsel vm6, v12, v8  }
0x29: {  	vm7 =	veq.s32 v11, $0x4;
	v12 =	vmax.f32 v12, v5  }
0x2a: {  	v8 =	vsel vm7, v8, v12  }
0x2b: {  	vm8 =	veq.s32 v11, $0x5;
	v8 =	vmax.f32 v8, v6  }
0x2c: {  	v12 =	vsel vm8, v12, v8  }
0x2d: {  	vm9 =	veq.s32 v11, $0x6;
	v12 =	vmax.f32 v12, v7  }
0x2e: {  	v8 =	vsel vm9, v8, v12  }
0x2f: {  	vm10 =	veq.s32 v11, $0x7;
	v8 =	vmax.f32 v8, v9  }
0x30: {  	v8 =	vsel vm10, v12, v8  }
0x31: {  	v63 =	vsub.f32 v8, v10;
	_ =	sdelay $0x1  }
0x32: {  	v9 =	vmul.f32 $1.442695020e+00, v63;
	_ =	sdelay $0x1  }
0x33: {  	(erf) = vpow2.f32 v9;
	_ =	sdelay $0x7  }
0x34: {  	vm11 =	vne.s32 v11, $0x6;
	vm12 =	vne.s32 v11, $0x5  }
0x35: {  	vm14 =	vne.s32 v11, $0x4;
	vm7 =	vne.s32 v11, $0x3;
	vm13 =	veq.f32 v7, v8;
	v9 =	vpop (erf)  }
0x36: {  	vm4 =	veq.f32 v2, v8;
	vm5 =	veq.f32 v4, v8;
	v9 =	vadd.f32 $1.000000000e+00, v9  }
0x37: {  	vm15 =	veq.f32 v6, v8;
	vm6 =	veq.f32 v5, v8;
	vm1 =	vmand vm11, vm13  }
0x38: {  	v2 =	vsel vm1, $0x6, v0;
	vm1 =	vmand vm12, vm15;
	(erf) = vrcp.f32 v9  }
0x39: {  	vm9 =	vmand vm14, vm6;
	vm10 =	vmand vm7, vm5;
	v2 =	vsel vm1, $0x5, v2  }
0x3a: {  	vm11 =	veq.f32 v3, v8;
	vm12 =	vne.s32 v11, $0x2;
	v2 =	vsel vm9, $0x4, v2  }
0x3b: {  	vm13 =	vne.s32 v11, $0x1;
	vm1 =	vmand vm12, vm11;
	v2 =	vsel vm10, $0x3, v2  }
0x3c: {  	vm14 =	veq.f32 v1, v8;
	vm15 =	vmand vm13, vm4;
	v1 =	vsel vm1, $0x2, v2  }
0x3d: {  	s31 =	simm.s32 $0x0;
	vm0 =	vmand vm0, vm14;
	v1 =	vsel vm15, $0x1, v1  }
0x3e: {  	s12 =	sand.u32 $0xFFFFFF00, s31;
	v1 =	vsel vm0, $0x0, v1  }
0x3f: {  	s14 =	sor.u32 s11, s12  }
0x40: {  	[tilespmem:s14+$0x2800] =	vst v11  }
0x41: {  	s15 =	simm.s32 $0x2;
	s11 =	simm.s32 $0x1;
	s12 =	simm.s32 $0x0;
	[tilespmem:s14+$0x2880] =	vst v1;
	v1 =	vpop (erf)  }
.LBB2_2:
0x42: {  	s16 =	sshll.u32 s11, $0x7  }
0x43: {  	v2 =	vsub.f32 $1.000000000e+00, v1;
	s12 =	sadd.s32 $0x10, s12;
	s17 =	smov.u32 s15;
	s13 =	sadd.s32 $0x1, s15  }
0x44: {  	p0 =	sne.s32 s15, $0x3F;
	s15 =	sand.u32 $0x70, s12;
	s16 =	sand.u32 $0x3FFFFC00, s16;
	[tilespmem:s14+$0x2000] =	vst v1  }
0x45: {  	s16 =	sor.u32 s15, s16;
	[tilespmem:s14+$0x2080] =	vst v2  }
0x46: {  	v1 =	vld [tilespmem:s16+$0x100]  }
0x47: {  	v2 =	vld [tilespmem:s16+$0x0]  }
0x48: {  	v3 =	vld [tilespmem:s16+$0x80]  }
0x49: {  	v4 =	vld [tilespmem:s16+$0x180]  }
0x4a: {  	v5 =	vld [tilespmem:s16+$0x200]  }
0x4b: {  	v6 =	vld [tilespmem:s16+$0x280]  }
0x4c: {  	v7 =	vld [tilespmem:s16+$0x300]  }
0x4d: {  	v8 =	vld [tilespmem:s16+$0x380];
	v9 =	vmax.f32 v2, v3  }
0x4e: {  	v10 =	vmax.f32 v9, v1  }
0x4f: {  	v10 =	vmax.f32 v10, v4  }
0x50: {  	v10 =	vmax.f32 v10, v5  }
0x51: {  	v10 =	vmax.f32 v10, v6  }
0x52: {  	v10 =	vmax.f32 v10, v7  }
0x53: {  	v10 =	vmax.f32 v10, v8  }
0x54: {  	vm0 =	veq.f32 v7, v10;
	vm1 =	veq.f32 v6, v10;
	vm2 =	veq.f32 v1, v10  }
0x55: {  	vm3 =	veq.f32 v5, v10;
	vm4 =	veq.f32 v3, v10;
	v11 =	vsel vm0, $0x6, v0  }
0x56: {  	vm0 =	vne.f32 v2, v10;
	v11 =	vsel vm1, $0x5, v11;
	vm1 =	veq.f32 v4, v10  }
0x57: {  	v11 =	vsel vm3, $0x4, v11;
	vm3 =	vmand vm0, vm4  }
0x58: {  	v11 =	vsel vm1, $0x3, v11;
	v9 =	vsel vm3, v2, v9  }
0x59: {  	s14 =	sshll.u32 s11, $0x5;
	s11 =	smov.u32 s17;
	v11 =	vsel vm2, $0x2, v11;
	v9 =	vsel vm0, v9, v3  }
0x5a: {  	s14 =	sand.u32 $0xFFFFFF00, s14;
	v11 =	vsel vm4, $0x1, v11  }
0x5b: {  	s14 =	sor.u32 s15, s14;
	v12 =	vmax.f32 v9, v1;
	v11 =	vnsel vm0, $0x0, v11  }
0x5c: {  	vm1 =	veq.s32 v11, $0x2;
	[tilespmem:s14+$0x2800] =	vst v11  }
0x5d: {  	v9 =	vsel vm1, v9, v12;
	vm1 =	veq.s32 v11, $0x3  }
0x5e: {  	v9 =	vmax.f32 v9, v4  }
0x5f: {  	v12 =	vsel vm1, v12, v9;
	vm1 =	veq.s32 v11, $0x4  }
0x60: {  	v12 =	vmax.f32 v12, v5  }
0x61: {  	v9 =	vsel vm1, v9, v12;
	vm1 =	veq.s32 v11, $0x5  }
0x62: {  	v9 =	vmax.f32 v9, v6  }
0x63: {  	v12 =	vsel vm1, v12, v9;
	vm1 =	veq.s32 v11, $0x6  }
0x64: {  	v12 =	vmax.f32 v12, v7  }
0x65: {  	v9 =	vsel vm1, v9, v12;
	vm1 =	veq.s32 v11, $0x7  }
0x66: {  	v8 =	vmax.f32 v9, v8  }
0x67: {  	vm2 =	vne.s32 v11, $0x6;
	vm3 =	vne.s32 v11, $0x5;
	v8 =	vsel vm1, v12, v8  }
0x68: {  	vm4 =	veq.f32 v7, v8;
	vm1 =	veq.f32 v3, v8;
	v3 =	vsub.f32 v8, v10  }
0x69: {  	vm5 =	veq.f32 v4, v8;
	vm2 =	vmand vm2, vm4;
	vm4 =	vne.s32 v11, $0x4  }
0x6a: {  	v4 =	vsel vm2, $0x6, v0;
	vm2 =	veq.f32 v5, v8;
	v3 =	vmul.f32 $1.442695020e+00, v3  }
0x6b: {  	vm6 =	veq.f32 v6, v8;
	vm2 =	vmand vm4, vm2;
	vm4 =	vne.s32 v11, $0x3  }
0x6c: {  	vm3 =	vmand vm3, vm6;
	vm4 =	vmand vm4, vm5;
	(erf) = vpow2.f32 v3  }
0x6d: {  	vm7 =	veq.f32 v2, v8;
	vm6 =	vne.s32 v11, $0x2;
	vm5 =	veq.f32 v1, v8  }
0x6e: {  	vm0 =	vmand vm0, vm7;
	v1 =	vsel vm3, $0x5, v4;
	vm3 =	vmand vm6, vm5  }
0x6f: {  	v1 =	vsel vm2, $0x4, v1  }
0x70: {  	vm2 =	vne.s32 v11, $0x1;
	v1 =	vsel vm4, $0x3, v1  }
0x71: {  	vm1 =	vmand vm2, vm1;
	v1 =	vsel vm3, $0x2, v1  }
0x72: {  	v1 =	vsel vm1, $0x1, v1  }
0x73: {  	v2 =	vsel vm0, $0x0, v1  }
0x74: {  	[tilespmem:s14+$0x2880] =	vst v2  }
0x75: {  	v1 =	vpop (erf)  }
0x76: {  	v1 =	vadd.f32 $1.000000000e+00, v1;
	_ =	sdelay $0x1  }
0x77: {  	(erf) = vrcp.f32 v1;
	_ =	sdelay $0x4  }
.Ltmp0:
0x78: {  	(pc) =	sbr.rel @p0 .LBB2_2-.Ltmp0, $2  }
0x79: {  	_ =	sdelay $0x2  }
0x7a: {  	s15 =	smov.u32 s13;
	v1 =	vpop (erf)  }
0x7b: {  	s13 =	sshll.u32 s11, $0x7;
	v2 =	vsub.f32 $1.000000000e+00, v1;
	s12 =	sadd.s32 $0x10, s12  }
0x7c: {  	[tilespmem:s14+$0x2000] =	vst v1;
	s12 =	sand.u32 $0x70, s12;
	s13 =	sand.u32 $0x3FFFFC00, s13  }
0x7d: {  	s13 =	sor.u32 s12, s13;
	[tilespmem:s14+$0x2080] =	vst v2  }
0x7e: {  	v1 =	vld [tilespmem:s13+$0x0]  }
0x7f: {  	v2 =	vld [tilespmem:s13+$0x80]  }
0x80: {  	v3 =	vld [tilespmem:s13+$0x100]  }
0x81: {  	v4 =	vld [tilespmem:s13+$0x180]  }
0x82: {  	v5 =	vld [tilespmem:s13+$0x200]  }
0x83: {  	v6 =	vld [tilespmem:s13+$0x280]  }
0x84: {  	v7 =	vld [tilespmem:s13+$0x300];
	v8 =	vmax.f32 v1, v2  }
0x85: {  	v9 =	vld [tilespmem:s13+$0x380];
	v10 =	vmax.f32 v8, v3  }
0x86: {  	v10 =	vmax.f32 v10, v4  }
0x87: {  	v10 =	vmax.f32 v10, v5  }
0x88: {  	v10 =	vmax.f32 v10, v6  }
0x89: {  	v10 =	vmax.f32 v10, v7  }
0x8a: {  	v10 =	vmax.f32 v10, v9  }
0x8b: {  	vm0 =	veq.f32 v7, v10  }
0x8c: {  	vm1 =	veq.f32 v6, v10;
	v11 =	vsel vm0, $0x6, v0  }
0x8d: {  	vm14 =	veq.f32 v5, v10;
	v11 =	vsel vm1, $0x5, v11  }
0x8e: {  	vm15 =	veq.f32 v3, v10;
	vm2 =	veq.f32 v4, v10;
	v11 =	vsel vm14, $0x4, v11  }
0x8f: {  	vm3 =	veq.f32 v2, v10;
	vm0 =	vne.f32 v1, v10;
	v11 =	vsel vm2, $0x3, v11  }
0x90: {  	vm4 =	vmand vm0, vm3;
	v11 =	vsel vm15, $0x2, v11  }
0x91: {  	v8 =	vsel vm4, v1, v8;
	v11 =	vsel vm3, $0x1, v11  }
0x92: {  	v8 =	vsel vm0, v8, v2;
	v11 =	vnsel vm0, $0x0, v11  }
0x93: {  	v12 =	vmax.f32 v8, v3;
	vm5 =	veq.s32 v11, $0x2  }
0x94: {  	v8 =	vsel vm5, v8, v12  }
0x95: {  	vm6 =	veq.s32 v11, $0x3;
	v8 =	vmax.f32 v8, v4  }
0x96: {  	v12 =	vsel vm6, v12, v8  }
0x97: {  	vm7 =	veq.s32 v11, $0x4;
	v12 =	vmax.f32 v12, v5  }
0x98: {  	v8 =	vsel vm7, v8, v12  }
0x99: {  	vm8 =	veq.s32 v11, $0x5;
	v8 =	vmax.f32 v8, v6  }
0x9a: {  	v12 =	vsel vm8, v12, v8  }
0x9b: {  	vm9 =	veq.s32 v11, $0x6;
	v12 =	vmax.f32 v12, v7  }
0x9c: {  	v8 =	vsel vm9, v8, v12  }
0x9d: {  	vm10 =	veq.s32 v11, $0x7;
	v8 =	vmax.f32 v8, v9  }
0x9e: {  	v8 =	vsel vm10, v12, v8  }
0x9f: {  	v63 =	vsub.f32 v8, v10;
	_ =	sdelay $0x1  }
0xa0: {  	v9 =	vmul.f32 $1.442695020e+00, v63;
	_ =	sdelay $0x1  }
0xa1: {  	(erf) = vpow2.f32 v9;
	_ =	sdelay $0x8  }
0xa2: {  	v9 =	vpop (erf)  }
0xa3: {  	v9 =	vadd.f32 $1.000000000e+00, v9  }
0xa4: {  	vm11 =	vne.s32 v11, $0x6  }
0xa5: {  	vm12 =	vne.s32 v11, $0x5;
	vm14 =	vne.s32 v11, $0x4;
	(erf) = vrcp.f32 v9  }
0xa6: {  	vm7 =	vne.s32 v11, $0x3;
	vm13 =	veq.f32 v7, v8;
	vm4 =	veq.f32 v2, v8  }
0xa7: {  	vm5 =	veq.f32 v4, v8;
	vm15 =	veq.f32 v6, v8;
	vm1 =	vmand vm11, vm13  }
0xa8: {  	vm6 =	veq.f32 v5, v8;
	v2 =	vsel vm1, $0x6, v0;
	vm1 =	vmand vm12, vm15  }
0xa9: {  	vm9 =	vmand vm14, vm6;
	vm10 =	vmand vm7, vm5;
	v2 =	vsel vm1, $0x5, v2  }
0xaa: {  	vm11 =	veq.f32 v3, v8;
	vm12 =	vne.s32 v11, $0x2;
	v2 =	vsel vm9, $0x4, v2  }
0xab: {  	s31 =	sshll.u32 s11, $0x5;
	vm13 =	vne.s32 v11, $0x1;
	vm1 =	vmand vm12, vm11;
	v2 =	vsel vm10, $0x3, v2  }
0xac: {  	s11 =	sand.u32 $0xFFFFFF00, s31;
	vm14 =	veq.f32 v1, v8;
	vm15 =	vmand vm13, vm4;
	v1 =	vsel vm1, $0x2, v2  }
0xad: {  	s11 =	sor.u32 s12, s11;
	vm0 =	vmand vm0, vm14;
	v1 =	vsel vm15, $0x1, v1  }
0xae: {  	[tilespmem:s11+$0x2800] =	vst v11;
	v1 =	vsel vm0, $0x0, v1;
	v2 =	vpop (erf)  }
0xaf: {  	[tilespmem:s11+$0x2880] =	vst v1;
	v1 =	vsub.f32 $1.000000000e+00, v2  }
0xb0: {  	[tilespmem:s11+$0x2000] =	vst v2  }
0xb1: {  	[tilespmem:s11+$0x2080] =	vst v1  }
0xb2: {  	[hbm4b:s4+s2] =	stream.linear.scatter [tilespmem:s8], [sflag:$0x1], $0x800, $0x38;
	[tilespmem:$0x3000] =	vst v63  }
0xb3: {  	s10 =	sadd.s32 $0x1, s10;
	_ =	swait.ge [sflag:s7], $0x800  }
0xb4: {  	p0 =	sne.s32 s10, s6;
	[sflag:s7] =	ssyncset.done $0x0  }
.Ltmp1:
0xb5: {  	[sflag:s7] =	ssyncadd.s32 $0xFFFFF800;
	(pc) =	sbr.rel @p0 .LBB2_1-.Ltmp1, $4  }
0xb6: {  	[hbm4b:s5+s2] =	stream.linear.scatter [tilespmem:s9], [sflag:$0x1], $0x800, $0x38;
	[tilespmem:$0x3000] =	vst v63  }
0xb7: {  	_ =	swait.ge [sflag:s7], $0x800  }
0xb8: {  	[sflag:s7] =	ssyncset.done $0x0  }
0xb9: {  	[sflag:s7] =	ssyncadd.s32 $0xFFFFF800  }
0xba: {  	_ =	sfence.sel $0x180000  }
0xbb: {  	[bflag:$0x0] =	sbarrier.arrive $0xFFFF  }
0xbc: {  	p0 =	sne.s32 s1, $0x0;
	_ =	strace $0x90000047  }
0xbd: {  	s0 =	sadd.s32 @!p0 $0x100000, s0;
	[bflag:$0x2] =	sbarrier.arrive $0xFFFF  }
0xbe: {  	[sflag:s0] =	ssyncadd.tile.s32 @!p0 $0x1;
	_ =	shalt  }
.Lfunc_end2:
_tile_overlayer_lowered:
.L_overlay_start_2:
0xbf: {  	(tag) =	ssettag $0x2  }
0xc0: {  	s0 =	rddreg [dreg:$0x0];
	s2 =	stileid.u32  }
0xc1: {  	s1 =	rddreg [dreg:$0x1];
	p0 =	sne.s32 s2, $0x0  }
0xc2: {  	s3 =	rddreg [dreg:$0x2];
	[bflag:$0x3] =	sbarrier.arrive $0xFFFF;
	s2 =	simm.s32 @!p0 $0x1C01  }
0xc3: {  	[timem:s3], [sflag:s2] =	dma.local @!p0 [hbm:s0], s1  }
0xc4: {  	s0 =	simm.s32 @!p0 $0x1  }
0xc5: {  	_ =	swait.ge @!p0 [sflag:s0], s1  }
0xc6: {  	s1 =	ssub.s32 @!p0 $0x0, s1;
	[sflag:s0] =	ssyncset.done @!p0 $0x0  }
0xc7: {  	[sflag:s0] =	ssyncadd.s32 @!p0 s1  }
0xc8: {  	[bflag:$0x3] =	sbarrier.arrive $0xFFFF  }
0xc9: {  	_ =	shalt  }

</sc_bundles>
